<compile_context>
chip_gen: v7x
topology: tpu7x:2x2x1
jax: 0.10.2.dev20260603
libtpu: 0.0.44.dev20260713+nightly
codegen_flags: <defaults>
</compile_context>

<pallas_src>
import functools

import jax
import jax.numpy as jnp
from jax import lax
from jax.experimental import pallas as pl
from jax.experimental.pallas import tpu as pltpu
from jax.experimental.pallas import tpu_sc as plsc

_EPS = 1e-12

_NUM_CORES = 2
_NUM_SUBCORES = 16
_NUM_WORKERS = _NUM_CORES * _NUM_SUBCORES
_IDX_CHUNK = 128


def _sc_gather(table, ids):
    batch, seq = ids.shape
    n_idx = batch * seq
    depth = table.shape[1]
    per_w = n_idx // _NUM_WORKERS
    n_chunks = per_w // _IDX_CHUNK
    w_per_row = seq // per_w
    mesh = plsc.VectorSubcoreMesh(core_axis_name="c", subcore_axis_name="s")

    @functools.partial(
        pl.kernel,
        mesh=mesh,
        out_type=jax.ShapeDtypeStruct((n_idx, depth), jnp.float32),
        scratch_types=[
            pltpu.VMEM((per_w,), jnp.int32),
            pltpu.VMEM((per_w, depth), jnp.float32),
            pltpu.SemaphoreType.DMA,
            pltpu.SemaphoreType.DMA,
        ],
    )
    def k(table_hbm, idx_hbm, out_hbm, idx_v, rows_v, gsem, wsem):
        wid = lax.axis_index("s") * _NUM_CORES + lax.axis_index("c")
        row = wid // w_per_row
        col0 = (wid % w_per_row) * per_w
        pltpu.sync_copy(idx_hbm.at[row, pl.ds(col0, per_w)], idx_v)
        gathers = [
            pltpu.async_copy(
                table_hbm.at[idx_v.at[pl.ds(j * _IDX_CHUNK, _IDX_CHUNK)]],
                rows_v.at[pl.ds(j * _IDX_CHUNK, _IDX_CHUNK)],
                gsem,
            )
            for j in range(n_chunks)
        ]
        writebacks = []
        for j in range(n_chunks):
            gathers[j].wait()
            writebacks.append(
                pltpu.async_copy(
                    rows_v.at[pl.ds(j * _IDX_CHUNK, _IDX_CHUNK)],
                    out_hbm.at[pl.ds(wid * per_w + j * _IDX_CHUNK, _IDX_CHUNK)],
                    wsem,
                )
            )
        for w in writebacks:
            w.wait()

    return k(table, ids)


def _tc_add_ln(gathered3, pos_emb, token_type_ids, type_emb, gamma, beta, rows_per_step):
    batch, seq, hidden = gathered3.shape
    n_blk = batch // rows_per_step
    r = rows_per_step

    def body(g_ref, p_ref, tt_ref, te_ref, ga_ref, be_ref, o_ref):
        i = pl.program_id(0)
        x = g_ref[...] + p_ref[...]
        tt = jnp.stack([tt_ref[i * r + j, :] for j in range(r)])
        f = tt.astype(jnp.float32)[:, :, None]
        t0 = te_ref[0:1, :][None]
        t1 = te_ref[1:2, :][None]
        x = x + t0 + f * (t1 - t0)
        x2 = x.reshape(r * seq, hidden)
        w = jnp.full((hidden, hidden), 1.0 / hidden, dtype=jnp.bfloat16)
        xb = x2.astype(jnp.bfloat16)
        dn = (((1,), (0,)), ((), ()))
        mean = lax.dot_general(xb, w, dn, preferred_element_type=jnp.float32)
        exx = lax.dot_general(xb * xb, w, dn, preferred_element_type=jnp.float32)
        var = exx - mean * mean
        inv = lax.rsqrt(var + _EPS)
        o = (x2 - mean) * inv * ga_ref[...] + be_ref[...]
        o_ref[...] = o.reshape(r, seq, hidden)

    return pl.pallas_call(
        body,
        grid=(n_blk,),
        in_specs=[
            pl.BlockSpec((r, seq, hidden), lambda i: (i, 0, 0)),
            pl.BlockSpec((1, seq, hidden), lambda i: (0, 0, 0)),
            pl.BlockSpec((batch, seq), lambda i: (0, 0)),
            pl.BlockSpec((2, hidden), lambda i: (0, 0)),
            pl.BlockSpec((1, hidden), lambda i: (0, 0)),
            pl.BlockSpec((1, hidden), lambda i: (0, 0)),
        ],
        out_specs=pl.BlockSpec((r, seq, hidden), lambda i: (i, 0, 0)),
        out_shape=jax.ShapeDtypeStruct((batch, seq, hidden), jnp.float32),
    )(gathered3, pos_emb[None], token_type_ids, type_emb, gamma, beta)


def kernel(input_ids, token_type_ids, word_emb, pos_emb, type_emb, ln_gamma, ln_beta):
    batch, seq = input_ids.shape
    hidden = word_emb.shape[1]
    n_rows = batch * seq

    gathered = _sc_gather(word_emb, input_ids.astype(jnp.int32))

    return _tc_add_ln(
        gathered.reshape(batch, seq, hidden),
        pos_emb,
        token_type_ids.astype(jnp.int32),
        type_emb,
        ln_gamma.reshape(1, hidden),
        ln_beta.reshape(1, hidden),
        rows_per_step=2,
    )

# --- scband reference (transcript-rebuilt; emitter-appended) ---
"""Pipeline reference for scband-bert-embeddings-40810779247197 (READ-ONLY COPY).

The authoritative reference and input builder live on the scoring server;
editing this copy changes nothing except your own understanding.
"""

import jax, jax.numpy as jnp
import numpy as np

VOCAB = 100000
HIDDEN = 128
MAX_SEQ = 2048
TYPE_VOCAB = 2
EPS = 1e-12
BATCH = 4
SEQ = 2048


def setup_inputs(seed: int = 0) -> dict:
    key = jax.random.key(seed)
    k1, k2, k3, k4, k5 = jax.random.split(key, 5)
    input_ids = jax.random.randint(k1, (BATCH, SEQ), 0, VOCAB, dtype=jnp.int64 if jax.config.jax_enable_x64 else jnp.int32)
    token_type_ids = jax.random.randint(k2, (BATCH, SEQ), 0, TYPE_VOCAB, dtype=jnp.int64 if jax.config.jax_enable_x64 else jnp.int32)
    word_emb = jax.random.normal(k3, (VOCAB, HIDDEN), dtype=jnp.float32) * 0.02
    pos_emb = jax.random.normal(k4, (MAX_SEQ, HIDDEN), dtype=jnp.float32) * 0.02
    type_emb = jax.random.normal(k5, (TYPE_VOCAB, HIDDEN), dtype=jnp.float32) * 0.02
    ln_gamma = jnp.ones((HIDDEN,), dtype=jnp.float32)
    ln_beta = jnp.zeros((HIDDEN,), dtype=jnp.float32)
    return {
        "input_ids": input_ids,
        "token_type_ids": token_type_ids,
        "word_emb": word_emb,
        "pos_emb": pos_emb,
        "type_emb": type_emb,
        "ln_gamma": ln_gamma,
        "ln_beta": ln_beta,
    }


def reference(input_ids, token_type_ids, word_emb, pos_emb, type_emb, ln_gamma, ln_beta):
    batch_size, seq_len = input_ids.shape
    position_ids = jnp.arange(seq_len)
    words_embeddings = jnp.take(word_emb, input_ids, axis=0)
    position_embeddings = jnp.take(pos_emb, position_ids, axis=0)[None, :, :]
    token_type_embeddings = jnp.take(type_emb, token_type_ids, axis=0)
    embeddings = words_embeddings + position_embeddings + token_type_embeddings
    mean = jnp.mean(embeddings, axis=-1, keepdims=True)
    var = jnp.mean(jnp.square(embeddings - mean), axis=-1, keepdims=True)
    normed = (embeddings - mean) / jnp.sqrt(var + EPS)
    out = normed * ln_gamma + ln_beta
    # dropout is identity in eval mode
    return out

if __name__ == "__main__":
    import jax
    _d = setup_inputs()
    print(jax.jit(kernel)(*tuple(_d.values())))

</pallas_src>

<mosaic_0001>
#map = affine_map<(d0, d1) -> (0, 0)>
module attributes {stable_mosaic.version = 14 : i64} {
  func.func @k(%arg0: i32, %arg1: i32, %arg2: memref<100000x128xf32, #tpu.memory_space<hbm>>, %arg3: memref<4x2048xi32, #tpu.memory_space<hbm>>, %arg4: memref<8192x128xf32, #tpu.memory_space<hbm>>, %arg5: memref<256xi32, #tpu.memory_space<vmem>>, %arg6: memref<256x128xf32, #tpu.memory_space<vmem>>, %arg7: memref<!tpu.dma_semaphore, #tpu.memory_space<semaphore_mem>>, %arg8: memref<!tpu.dma_semaphore, #tpu.memory_space<semaphore_mem>>) attributes {dimension_semantics = [#tpu.dimension_semantics<core_parallel>, #tpu.dimension_semantics<subcore_parallel>], iteration_bounds = array<i64: 2, 16>, scalar_prefetch = 0 : i64, scratch_operands = 4 : i64, tpu.core_type = #tpu.core_type<sc_vector_subcore>, window_params = [{transform_indices = #map}, {transform_indices = #map}, {transform_indices = #map}]} {
    %mul3A = arith.constant 2 : i32
    %mul3A_0 = arith.muli %arg1, %mul3A : i32
    %add3A = arith.addi %mul3A_0, %arg0 : i32
    %jit3A = arith.constant 8 : i32
    %div3A = arith.divsi %add3A, %jit3A : i32
    %sign3A = arith.constant 0 : i32
    %sign3A_1 = arith.cmpi sgt, %add3A, %sign3A : i32
    %sign3A_2 = arith.extui %sign3A_1 : i1 to i32
    %sign3A_3 = arith.constant 0 : i32
    %sign3A_4 = arith.cmpi slt, %add3A, %sign3A_3 : i32
    %sign3A_5 = arith.extui %sign3A_4 : i1 to i32
    %sign3A_6 = arith.subi %sign3A_2, %sign3A_5 : i32
    %sign3A_7 = arith.constant 0 : i32
    %sign3A_8 = arith.cmpi sgt, %jit3A, %sign3A_7 : i32
    %sign3A_9 = arith.extui %sign3A_8 : i1 to i32
    %sign3A_10 = arith.constant 0 : i32
    %sign3A_11 = arith.cmpi slt, %jit3A, %sign3A_10 : i32
    %sign3A_12 = arith.extui %sign3A_11 : i1 to i32
    %sign3A_13 = arith.subi %sign3A_9, %sign3A_12 : i32
    %ne3A = arith.cmpi ne, %sign3A_6, %sign3A_13 : i32
    %rem3A = arith.remsi %add3A, %jit3A : i32
    %ne3A_14 = arith.constant 0 : i32
    %ne3A_15 = arith.cmpi ne, %rem3A, %ne3A_14 : i32
    %and3A = arith.andi %ne3A, %ne3A_15 : i1
    %sub3A = arith.constant 1 : i32
    %sub3A_16 = arith.subi %div3A, %sub3A : i32
    %select_n3A = arith.select %and3A, %sub3A_16, %div3A : i32
    %jit3A_17 = arith.constant 8 : i32
    %eq3A = arith.constant 0 : i32
    %eq3A_18 = arith.cmpi eq, %jit3A_17, %eq3A : i32
    %jit3A_19 = arith.constant 1 : i32
    %select_n3A_20 = arith.select %eq3A_18, %jit3A_19, %jit3A_17 : i32
    %rem3A_21 = arith.remsi %add3A, %select_n3A_20 : i32
    %ne3A_22 = arith.constant 0 : i32
    %ne3A_23 = arith.cmpi ne, %rem3A_21, %ne3A_22 : i32
    %lt3A = arith.constant 0 : i32
    %lt3A_24 = arith.cmpi slt, %rem3A_21, %lt3A : i32
    %lt3A_25 = arith.constant 0 : i32
    %lt3A_26 = arith.cmpi slt, %select_n3A_20, %lt3A_25 : i32
    %ne3A_27 = arith.xori %lt3A_24, %lt3A_26 : i1
    %and3A_28 = arith.andi %ne3A_27, %ne3A_23 : i1
    %add3A_29 = arith.addi %rem3A_21, %select_n3A_20 : i32
    %select_n3A_30 = arith.select %and3A_28, %add3A_29, %rem3A_21 : i32
    %mul3A_31 = arith.constant 256 : i32
    %mul3A_32 = arith.muli %select_n3A_30, %mul3A_31 : i32
    "tpu.region"() ({
      %run_scoped3A = tpu.sem_alloc : memref<!tpu.dma_semaphore, #tpu.memory_space<semaphore_mem>>
      %dma_start3A_111 = tpu.memref_slice %arg3[%select_n3A, %mul3A_32] : memref<4x2048xi32, #tpu.memory_space<hbm>> -> memref<1x256xi32, #tpu.memory_space<hbm>>
      %dma_start3A_112 = tpu.memref_squeeze %dma_start3A_111 : memref<1x256xi32, #tpu.memory_space<hbm>> -> memref<256xi32, #tpu.memory_space<hbm>>
      %dma_start3A_113 = tpu.memref_slice %arg3[%select_n3A, %mul3A_32] : memref<4x2048xi32, #tpu.memory_space<hbm>> -> memref<1x256xi32, #tpu.memory_space<hbm>>
      %dma_start3A_114 = tpu.memref_squeeze %dma_start3A_113 : memref<1x256xi32, #tpu.memory_space<hbm>> -> memref<256xi32, #tpu.memory_space<hbm>>
      tpu.enqueue_dma source(%dma_start3A_114 : memref<256xi32, #tpu.memory_space<hbm>>) target(%arg5 : memref<256xi32, #tpu.memory_space<vmem>>) target_semaphore(%run_scoped3A : memref<!tpu.dma_semaphore, #tpu.memory_space<semaphore_mem>>)
      %dma_wait3A_115 = tpu.memref_slice %arg3[%select_n3A, %mul3A_32] : memref<4x2048xi32, #tpu.memory_space<hbm>> -> memref<1x256xi32, #tpu.memory_space<hbm>>
      %dma_wait3A_116 = tpu.memref_squeeze %dma_wait3A_115 : memref<1x256xi32, #tpu.memory_space<hbm>> -> memref<256xi32, #tpu.memory_space<hbm>>
      %dma_wait3A_117 = tpu.memref_slice %arg3[%select_n3A, %mul3A_32] : memref<4x2048xi32, #tpu.memory_space<hbm>> -> memref<1x256xi32, #tpu.memory_space<hbm>>
      %dma_wait3A_118 = tpu.memref_squeeze %dma_wait3A_117 : memref<1x256xi32, #tpu.memory_space<hbm>> -> memref<256xi32, #tpu.memory_space<hbm>>
      tpu.wait_dma2 semaphore(%run_scoped3A : memref<!tpu.dma_semaphore, #tpu.memory_space<semaphore_mem>>) src(%dma_wait3A_118 : memref<256xi32, #tpu.memory_space<hbm>>) dst(%arg5 : memref<256xi32, #tpu.memory_space<vmem>>)
      tpu.yield
    }) : () -> ()
    %dma_start3A = arith.constant 0 : i32
    %dma_start3A_33 = arith.constant 0 : i32
    %dma_start3A_34 = tpu.memref_slice %arg6[%dma_start3A, %dma_start3A_33] : memref<256x128xf32, #tpu.memory_space<vmem>> -> memref<128x128xf32, #tpu.memory_space<vmem>>
    %dma_start3A_35 = arith.constant 0 : i32
    %dma_start3A_36 = tpu.memref_slice %arg5[%dma_start3A_35] : memref<256xi32, #tpu.memory_space<vmem>> -> memref<128xi32, #tpu.memory_space<vmem>>
    %dma_start3A_37 = arith.constant 0 : i32
    %dma_start3A_38 = arith.constant 0 : i32
    %dma_start3A_39 = tpu.memref_slice %arg2[%dma_start3A_37, %dma_start3A_38] : memref<100000x128xf32, #tpu.memory_space<hbm>> -> memref<100000x128xf32, #tpu.memory_space<hbm>>
    tpu.enqueue_indirect_dma source(%dma_start3A_39 : memref<100000x128xf32, #tpu.memory_space<hbm>>) target(%dma_start3A_34 : memref<128x128xf32, #tpu.memory_space<vmem>>) offsets(%dma_start3A_36 : memref<128xi32, #tpu.memory_space<vmem>>) semaphore(%arg7 : memref<!tpu.dma_semaphore, #tpu.memory_space<semaphore_mem>>)
    %dma_start3A_40 = arith.constant 128 : i32
    %dma_start3A_41 = arith.constant 0 : i32
    %dma_start3A_42 = tpu.memref_slice %arg6[%dma_start3A_40, %dma_start3A_41] : memref<256x128xf32, #tpu.memory_space<vmem>> -> memref<128x128xf32, #tpu.memory_space<vmem>>
    %dma_start3A_43 = arith.constant 128 : i32
    %dma_start3A_44 = tpu.memref_slice %arg5[%dma_start3A_43] : memref<256xi32, #tpu.memory_space<vmem>> -> memref<128xi32, #tpu.memory_space<vmem>>
    %dma_start3A_45 = arith.constant 0 : i32
    %dma_start3A_46 = arith.constant 0 : i32
    %dma_start3A_47 = tpu.memref_slice %arg2[%dma_start3A_45, %dma_start3A_46] : memref<100000x128xf32, #tpu.memory_space<hbm>> -> memref<100000x128xf32, #tpu.memory_space<hbm>>
    tpu.enqueue_indirect_dma source(%dma_start3A_47 : memref<100000x128xf32, #tpu.memory_space<hbm>>) target(%dma_start3A_42 : memref<128x128xf32, #tpu.memory_space<vmem>>) offsets(%dma_start3A_44 : memref<128xi32, #tpu.memory_space<vmem>>) semaphore(%arg7 : memref<!tpu.dma_semaphore, #tpu.memory_space<semaphore_mem>>)
    %dma_wait3A = arith.constant 0 : i32
    %dma_wait3A_48 = arith.constant 0 : i32
    %dma_wait3A_49 = tpu.memref_slice %arg6[%dma_wait3A, %dma_wait3A_48] : memref<256x128xf32, #tpu.memory_space<vmem>> -> memref<128x128xf32, #tpu.memory_space<vmem>>
    %dma_wait3A_50 = arith.constant 0 : i32
    %dma_wait3A_51 = tpu.memref_slice %arg5[%dma_wait3A_50] : memref<256xi32, #tpu.memory_space<vmem>> -> memref<128xi32, #tpu.memory_space<vmem>>
    %dma_wait3A_52 = arith.constant 0 : i32
    %dma_wait3A_53 = arith.constant 0 : i32
    %dma_wait3A_54 = tpu.memref_slice %arg2[%dma_wait3A_52, %dma_wait3A_53] : memref<100000x128xf32, #tpu.memory_space<hbm>> -> memref<100000x128xf32, #tpu.memory_space<hbm>>
    tpu.wait_indirect_dma semaphore(%arg7 : memref<!tpu.dma_semaphore, #tpu.memory_space<semaphore_mem>>) src(%dma_wait3A_54 : memref<100000x128xf32, #tpu.memory_space<hbm>>) dst(%dma_wait3A_49 : memref<128x128xf32, #tpu.memory_space<vmem>>)
    %mul3A_55 = arith.constant 256 : i32
    %mul3A_56 = arith.muli %add3A, %mul3A_55 : i32
    %add3A_57 = arith.constant 0 : i32
    %add3A_58 = arith.addi %mul3A_56, %add3A_57 : i32
    %dma_start3A_59 = arith.constant 0 : i32
    %dma_start3A_60 = arith.constant 0 : i32
    %dma_start3A_61 = tpu.memref_slice %arg6[%dma_start3A_59, %dma_start3A_60] : memref<256x128xf32, #tpu.memory_space<vmem>> -> memref<128x128xf32, #tpu.memory_space<vmem>>
    %dma_start3A_62 = arith.constant 0 : i32
    %dma_start3A_63 = tpu.memref_slice %arg4[%add3A_58, %dma_start3A_62] : memref<8192x128xf32, #tpu.memory_space<hbm>> -> memref<128x128xf32, #tpu.memory_space<hbm>>
    %dma_start3A_64 = arith.constant 0 : i32
    %dma_start3A_65 = tpu.memref_slice %arg4[%add3A_58, %dma_start3A_64] : memref<8192x128xf32, #tpu.memory_space<hbm>> -> memref<128x128xf32, #tpu.memory_space<hbm>>
    %dma_start3A_66 = arith.constant 0 : i32
    %dma_start3A_67 = arith.constant 0 : i32
    %dma_start3A_68 = tpu.memref_slice %arg6[%dma_start3A_66, %dma_start3A_67] : memref<256x128xf32, #tpu.memory_space<vmem>> -> memref<128x128xf32, #tpu.memory_space<vmem>>
    tpu.enqueue_dma source(%dma_start3A_68 : memref<128x128xf32, #tpu.memory_space<vmem>>) target(%dma_start3A_65 : memref<128x128xf32, #tpu.memory_space<hbm>>) target_semaphore(%arg8 : memref<!tpu.dma_semaphore, #tpu.memory_space<semaphore_mem>>)
    %dma_wait3A_69 = arith.constant 128 : i32
    %dma_wait3A_70 = arith.constant 0 : i32
    %dma_wait3A_71 = tpu.memref_slice %arg6[%dma_wait3A_69, %dma_wait3A_70] : memref<256x128xf32, #tpu.memory_space<vmem>> -> memref<128x128xf32, #tpu.memory_space<vmem>>
    %dma_wait3A_72 = arith.constant 128 : i32
    %dma_wait3A_73 = tpu.memref_slice %arg5[%dma_wait3A_72] : memref<256xi32, #tpu.memory_space<vmem>> -> memref<128xi32, #tpu.memory_space<vmem>>
    %dma_wait3A_74 = arith.constant 0 : i32
    %dma_wait3A_75 = arith.constant 0 : i32
    %dma_wait3A_76 = tpu.memref_slice %arg2[%dma_wait3A_74, %dma_wait3A_75] : memref<100000x128xf32, #tpu.memory_space<hbm>> -> memref<100000x128xf32, #tpu.memory_space<hbm>>
    tpu.wait_indirect_dma semaphore(%arg7 : memref<!tpu.dma_semaphore, #tpu.memory_space<semaphore_mem>>) src(%dma_wait3A_76 : memref<100000x128xf32, #tpu.memory_space<hbm>>) dst(%dma_wait3A_71 : memref<128x128xf32, #tpu.memory_space<vmem>>)
    %mul3A_77 = arith.constant 256 : i32
    %mul3A_78 = arith.muli %add3A, %mul3A_77 : i32
    %add3A_79 = arith.constant 128 : i32
    %add3A_80 = arith.addi %mul3A_78, %add3A_79 : i32
    %dma_start3A_81 = arith.constant 128 : i32
    %dma_start3A_82 = arith.constant 0 : i32
    %dma_start3A_83 = tpu.memref_slice %arg6[%dma_start3A_81, %dma_start3A_82] : memref<256x128xf32, #tpu.memory_space<vmem>> -> memref<128x128xf32, #tpu.memory_space<vmem>>
    %dma_start3A_84 = arith.constant 0 : i32
    %dma_start3A_85 = tpu.memref_slice %arg4[%add3A_80, %dma_start3A_84] : memref<8192x128xf32, #tpu.memory_space<hbm>> -> memref<128x128xf32, #tpu.memory_space<hbm>>
    %dma_start3A_86 = arith.constant 0 : i32
    %dma_start3A_87 = tpu.memref_slice %arg4[%add3A_80, %dma_start3A_86] : memref<8192x128xf32, #tpu.memory_space<hbm>> -> memref<128x128xf32, #tpu.memory_space<hbm>>
    %dma_start3A_88 = arith.constant 128 : i32
    %dma_start3A_89 = arith.constant 0 : i32
    %dma_start3A_90 = tpu.memref_slice %arg6[%dma_start3A_88, %dma_start3A_89] : memref<256x128xf32, #tpu.memory_space<vmem>> -> memref<128x128xf32, #tpu.memory_space<vmem>>
    tpu.enqueue_dma source(%dma_start3A_90 : memref<128x128xf32, #tpu.memory_space<vmem>>) target(%dma_start3A_87 : memref<128x128xf32, #tpu.memory_space<hbm>>) target_semaphore(%arg8 : memref<!tpu.dma_semaphore, #tpu.memory_space<semaphore_mem>>)
    %dma_wait3A_91 = arith.constant 0 : i32
    %dma_wait3A_92 = arith.constant 0 : i32
    %dma_wait3A_93 = tpu.memref_slice %arg6[%dma_wait3A_91, %dma_wait3A_92] : memref<256x128xf32, #tpu.memory_space<vmem>> -> memref<128x128xf32, #tpu.memory_space<vmem>>
    %dma_wait3A_94 = arith.constant 0 : i32
    %dma_wait3A_95 = tpu.memref_slice %arg4[%add3A_58, %dma_wait3A_94] : memref<8192x128xf32, #tpu.memory_space<hbm>> -> memref<128x128xf32, #tpu.memory_space<hbm>>
    %dma_wait3A_96 = arith.constant 0 : i32
    %dma_wait3A_97 = tpu.memref_slice %arg4[%add3A_58, %dma_wait3A_96] : memref<8192x128xf32, #tpu.memory_space<hbm>> -> memref<128x128xf32, #tpu.memory_space<hbm>>
    %dma_wait3A_98 = arith.constant 0 : i32
    %dma_wait3A_99 = arith.constant 0 : i32
    %dma_wait3A_100 = tpu.memref_slice %arg6[%dma_wait3A_98, %dma_wait3A_99] : memref<256x128xf32, #tpu.memory_space<vmem>> -> memref<128x128xf32, #tpu.memory_space<vmem>>
    tpu.wait_dma2 semaphore(%arg8 : memref<!tpu.dma_semaphore, #tpu.memory_space<semaphore_mem>>) src(%dma_wait3A_100 : memref<128x128xf32, #tpu.memory_space<vmem>>) dst(%dma_wait3A_97 : memref<128x128xf32, #tpu.memory_space<hbm>>)
    %dma_wait3A_101 = arith.constant 128 : i32
    %dma_wait3A_102 = arith.constant 0 : i32
    %dma_wait3A_103 = tpu.memref_slice %arg6[%dma_wait3A_101, %dma_wait3A_102] : memref<256x128xf32, #tpu.memory_space<vmem>> -> memref<128x128xf32, #tpu.memory_space<vmem>>
    %dma_wait3A_104 = arith.constant 0 : i32
    %dma_wait3A_105 = tpu.memref_slice %arg4[%add3A_80, %dma_wait3A_104] : memref<8192x128xf32, #tpu.memory_space<hbm>> -> memref<128x128xf32, #tpu.memory_space<hbm>>
    %dma_wait3A_106 = arith.constant 0 : i32
    %dma_wait3A_107 = tpu.memref_slice %arg4[%add3A_80, %dma_wait3A_106] : memref<8192x128xf32, #tpu.memory_space<hbm>> -> memref<128x128xf32, #tpu.memory_space<hbm>>
    %dma_wait3A_108 = arith.constant 128 : i32
    %dma_wait3A_109 = arith.constant 0 : i32
    %dma_wait3A_110 = tpu.memref_slice %arg6[%dma_wait3A_108, %dma_wait3A_109] : memref<256x128xf32, #tpu.memory_space<vmem>> -> memref<128x128xf32, #tpu.memory_space<vmem>>
    tpu.wait_dma2 semaphore(%arg8 : memref<!tpu.dma_semaphore, #tpu.memory_space<semaphore_mem>>) src(%dma_wait3A_110 : memref<128x128xf32, #tpu.memory_space<vmem>>) dst(%dma_wait3A_107 : memref<128x128xf32, #tpu.memory_space<hbm>>)
    return
  }
}

module attributes {stable_mosaic.version = 14 : i64} {
  func.func @body(%arg0: i32, %arg1: memref<2x2048x128xf32, #tpu.memory_space<vmem>>, %arg2: memref<1x2048x128xf32, #tpu.memory_space<vmem>>, %arg3: memref<4x2048xi32, #tpu.memory_space<vmem>>, %arg4: memref<2x128xf32, #tpu.memory_space<vmem>>, %arg5: memref<1x128xf32, #tpu.memory_space<vmem>>, %arg6: memref<1x128xf32, #tpu.memory_space<vmem>>, %arg7: memref<2x2048x128xf32, #tpu.memory_space<vmem>>) attributes {dimension_semantics = [#tpu.dimension_semantics<arbitrary>], iteration_bounds = array<i64: 2>, scalar_prefetch = 0 : i64, scratch_operands = 0 : i64, tpu.core_type = #tpu.core_type<tc>, window_params = [{transform_indices = @transform_0, window_bounds = array<i64: 2, 2048, 128>}, {pipeline_mode = #tpu.pipeline_mode<synchronous>, transform_indices = @transform_1, window_bounds = array<i64: 1, 2048, 128>}, {pipeline_mode = #tpu.pipeline_mode<synchronous>, transform_indices = @transform_2, window_bounds = array<i64: 4, 2048>}, {pipeline_mode = #tpu.pipeline_mode<synchronous>, transform_indices = @transform_3, window_bounds = array<i64: 2, 128>}, {pipeline_mode = #tpu.pipeline_mode<synchronous>, transform_indices = @transform_4, window_bounds = array<i64: 1, 128>}, {pipeline_mode = #tpu.pipeline_mode<synchronous>, transform_indices = @transform_5, window_bounds = array<i64: 1, 128>}, {transform_indices = @transform_6, window_bounds = array<i64: 2, 2048, 128>}]} {
    %get3A = arith.constant 0 : index
    %get3A_0 = arith.constant 0 : index
    %get3A_1 = arith.constant 0 : index
    %get3A_2 = vector.load %arg1[%get3A, %get3A_0, %get3A_1] : memref<2x2048x128xf32, #tpu.memory_space<vmem>>, vector<2x2048x128xf32>
    %get3A_3 = arith.constant 0 : index
    %get3A_4 = arith.constant 0 : index
    %get3A_5 = arith.constant 0 : index
    %get3A_6 = vector.load %arg2[%get3A_3, %get3A_4, %get3A_5] : memref<1x2048x128xf32, #tpu.memory_space<vmem>>, vector<1x2048x128xf32>
    %add3A = vector.broadcast %get3A_6 : vector<1x2048x128xf32> to vector<2x2048x128xf32>
    %add3A_7 = arith.addf %get3A_2, %add3A : vector<2x2048x128xf32>
    %mul3A = arith.constant 2 : i32
    %mul3A_8 = arith.muli %arg0, %mul3A : i32
    %add3A_9 = arith.constant 0 : i32
    %add3A_10 = arith.addi %mul3A_8, %add3A_9 : i32
    %get3A_11 = arith.index_cast %add3A_10 : i32 to index
    %get3A_12 = arith.constant 0 : index
    %get3A_13 = vector.load %arg3[%get3A_11, %get3A_12] : memref<4x2048xi32, #tpu.memory_space<vmem>>, vector<1x2048xi32>
    %get3A_14 = vector.shape_cast %get3A_13 : vector<1x2048xi32> to vector<2048xi32>
    %mul3A_15 = arith.constant 2 : i32
    %mul3A_16 = arith.muli %arg0, %mul3A_15 : i32
    %add3A_17 = arith.constant 1 : i32
    %add3A_18 = arith.addi %mul3A_16, %add3A_17 : i32
    %get3A_19 = arith.index_cast %add3A_18 : i32 to index
    %get3A_20 = arith.constant 0 : index
    %get3A_21 = vector.load %arg3[%get3A_19, %get3A_20] : memref<4x2048xi32, #tpu.memory_space<vmem>>, vector<1x2048xi32>
    %get3A_22 = vector.shape_cast %get3A_21 : vector<1x2048xi32> to vector<2048xi32>
    %stack3A = vector.shape_cast %get3A_14 : vector<2048xi32> to vector<1x2048xi32>
    %stack3A_23 = vector.shape_cast %get3A_22 : vector<2048xi32> to vector<1x2048xi32>
    %stack3A_24 = tpu.concatenate %stack3A, %stack3A_23 in 0 : vector<1x2048xi32>, vector<1x2048xi32> -> vector<2x2048xi32>
    %convert_element_type3A = arith.sitofp %stack3A_24 : vector<2x2048xi32> to vector<2x2048xf32>
    %broadcast_in_dim3A = vector.shape_cast %convert_element_type3A : vector<2x2048xf32> to vector<2x2048x1xf32>
    %get3A_25 = arith.constant 0 : index
    %get3A_26 = arith.constant 0 : index
    %get3A_27 = vector.load %arg4[%get3A_25, %get3A_26] : memref<2x128xf32, #tpu.memory_space<vmem>>, vector<1x128xf32>
    %broadcast_in_dim3A_28 = vector.shape_cast %get3A_27 : vector<1x128xf32> to vector<1x1x128xf32>
    %get3A_29 = arith.constant 1 : index
    %get3A_30 = arith.constant 0 : index
    %get3A_31 = vector.load %arg4[%get3A_29, %get3A_30] : memref<2x128xf32, #tpu.memory_space<vmem>>, vector<1x128xf32>
    %broadcast_in_dim3A_32 = vector.shape_cast %get3A_31 : vector<1x128xf32> to vector<1x1x128xf32>
    %add3A_33 = vector.broadcast %broadcast_in_dim3A_28 : vector<1x1x128xf32> to vector<2x2048x128xf32>
    %add3A_34 = arith.addf %add3A_7, %add3A_33 : vector<2x2048x128xf32>
    %sub3A = arith.subf %broadcast_in_dim3A_32, %broadcast_in_dim3A_28 : vector<1x1x128xf32>
    %mul3A_35 = vector.broadcast %broadcast_in_dim3A : vector<2x2048x1xf32> to vector<2x2048x128xf32>
    %mul3A_36 = vector.broadcast %sub3A : vector<1x1x128xf32> to vector<2x2048x128xf32>
    %mul3A_37 = arith.mulf %mul3A_35, %mul3A_36 : vector<2x2048x128xf32>
    %add3A_38 = arith.addf %add3A_34, %mul3A_37 : vector<2x2048x128xf32>
    %reshape3A = vector.shape_cast %add3A_38 : vector<2x2048x128xf32> to vector<4096x128xf32>
    %broadcast_in_dim3A_39 = arith.constant 7.812500e-03 : bf16
    %broadcast_in_dim3A_40 = vector.broadcast %broadcast_in_dim3A_39 : bf16 to vector<128x128xbf16>
    %convert_element_type3A_41 = arith.truncf %reshape3A : vector<4096x128xf32> to vector<4096x128xbf16>
    %dot_general3A = arith.constant dense<0.000000e+00> : vector<4096x128xf32>
    %dot_general3A_42 = tpu.matmul %convert_element_type3A_41, %broadcast_in_dim3A_40, %dot_general3A {dimension_numbers = #tpu.dot_dimension_numbers<[1], [0], [0], [1], [0, 0, 1, 1], [], []>, transpose_lhs_hint = false} : vector<4096x128xbf16>, vector<128x128xbf16>, vector<4096x128xf32> -> vector<4096x128xf32>
    %mul3A_43 = arith.mulf %convert_element_type3A_41, %convert_element_type3A_41 : vector<4096x128xbf16>
    %dot_general3A_44 = arith.constant dense<0.000000e+00> : vector<4096x128xf32>
    %dot_general3A_45 = tpu.matmul %mul3A_43, %broadcast_in_dim3A_40, %dot_general3A_44 {dimension_numbers = #tpu.dot_dimension_numbers<[1], [0], [0], [1], [0, 0, 1, 1], [], []>, transpose_lhs_hint = false} : vector<4096x128xbf16>, vector<128x128xbf16>, vector<4096x128xf32> -> vector<4096x128xf32>
    %mul3A_46 = arith.mulf %dot_general3A_42, %dot_general3A_42 : vector<4096x128xf32>
    %sub3A_47 = arith.subf %dot_general3A_45, %mul3A_46 : vector<4096x128xf32>
    %add3A_48 = arith.constant 9.99999996E-13 : f32
    %add3A_49 = vector.broadcast %add3A_48 : f32 to vector<4096x128xf32>
    %add3A_50 = arith.addf %sub3A_47, %add3A_49 : vector<4096x128xf32>
    %rsqrt3A = math.rsqrt %add3A_50 : vector<4096x128xf32>
    %sub3A_51 = arith.subf %reshape3A, %dot_general3A_42 : vector<4096x128xf32>
    %mul3A_52 = arith.mulf %sub3A_51, %rsqrt3A : vector<4096x128xf32>
    %get3A_53 = arith.constant 0 : index
    %get3A_54 = arith.constant 0 : index
    %get3A_55 = vector.load %arg5[%get3A_53, %get3A_54] : memref<1x128xf32, #tpu.memory_space<vmem>>, vector<1x128xf32>
    %mul3A_56 = vector.broadcast %get3A_55 : vector<1x128xf32> to vector<4096x128xf32>
    %mul3A_57 = arith.mulf %mul3A_52, %mul3A_56 : vector<4096x128xf32>
    %get3A_58 = arith.constant 0 : index
    %get3A_59 = arith.constant 0 : index
    %get3A_60 = vector.load %arg6[%get3A_58, %get3A_59] : memref<1x128xf32, #tpu.memory_space<vmem>>, vector<1x128xf32>
    %add3A_61 = vector.broadcast %get3A_60 : vector<1x128xf32> to vector<4096x128xf32>
    %add3A_62 = arith.addf %mul3A_57, %add3A_61 : vector<4096x128xf32>
    %reshape3A_63 = vector.shape_cast %add3A_62 : vector<4096x128xf32> to vector<2x2048x128xf32>
    %swap3A = arith.constant 0 : index
    %swap3A_64 = arith.constant 0 : index
    %swap3A_65 = arith.constant 0 : index
    %swap3A_66 = vector.load %arg7[%swap3A, %swap3A_64, %swap3A_65] : memref<2x2048x128xf32, #tpu.memory_space<vmem>>, vector<2x2048x128xf32>
    tpu.vector_store %arg7[%swap3A, %swap3A_64, %swap3A_65], %reshape3A_63 {strides = array<i32>} : memref<2x2048x128xf32, #tpu.memory_space<vmem>>, vector<2x2048x128xf32>,
    return
  }
  func.func @transform_0(%arg0: i32) -> (i32, i32, i32) {
    %c0_i32 = arith.constant 0 : i32
    %c0_i32_0 = arith.constant 0 : i32
    %c0_i32_1 = arith.constant 0 : i32
    return %arg0, %c0_i32, %c0_i32_0 : i32, i32, i32
  }
  func.func @transform_1(%arg0: i32) -> (i32, i32, i32) {
    %c0_i32 = arith.constant 0 : i32
    %c0_i32_0 = arith.constant 0 : i32
    %c0_i32_1 = arith.constant 0 : i32
    %c0_i32_2 = arith.constant 0 : i32
    return %c0_i32, %c0_i32_0, %c0_i32_1 : i32, i32, i32
  }
  func.func @transform_2(%arg0: i32) -> (i32, i32) {
    %c0_i32 = arith.constant 0 : i32
    %c0_i32_0 = arith.constant 0 : i32
    %c0_i32_1 = arith.constant 0 : i32
    return %c0_i32, %c0_i32_0 : i32, i32
  }
  func.func @transform_3(%arg0: i32) -> (i32, i32) {
    %c0_i32 = arith.constant 0 : i32
    %c0_i32_0 = arith.constant 0 : i32
    %c0_i32_1 = arith.constant 0 : i32
    return %c0_i32, %c0_i32_0 : i32, i32
  }
  func.func @transform_4(%arg0: i32) -> (i32, i32) {
    %c0_i32 = arith.constant 0 : i32
    %c0_i32_0 = arith.constant 0 : i32
    %c0_i32_1 = arith.constant 0 : i32
    return %c0_i32, %c0_i32_0 : i32, i32
  }
  func.func @transform_5(%arg0: i32) -> (i32, i32) {
    %c0_i32 = arith.constant 0 : i32
    %c0_i32_0 = arith.constant 0 : i32
    %c0_i32_1 = arith.constant 0 : i32
    return %c0_i32, %c0_i32_0 : i32, i32
  }
  func.func @transform_6(%arg0: i32) -> (i32, i32, i32) {
    %c0_i32 = arith.constant 0 : i32
    %c0_i32_0 = arith.constant 0 : i32
    %c0_i32_1 = arith.constant 0 : i32
    return %arg0, %c0_i32, %c0_i32_0 : i32, i32, i32
  }
}

</mosaic_0001>

<sc_bundles>
// kernel: kernel.4.cloned.1.call-start
scs
__scs_entry_jumppad:
0x0: {  	(pc) =	sbr.rel $0x88, $3  }
0x1: {  	(tag) =	ssettag $0x0;
	lr =	simm.s32 $0x1  }
0x2: {  	[smem:$0x3F9A] =	sst lr;
	_ =	strace $0xD0000000  }
0x3: {  	_ = 	snop  }
0x4: {  	_ = 	snop  }
0x5: {  	_ = 	snop  }
0x6: {  	_ = 	snop  }
0x7: {  	_ = 	snop  }
__scs_overlays_trampoline_lowered:
0x8: {  	[smem:$0x3FA9] =	sst s0  }
0x9: {  	[smem:$0x3FAA] =	sst s1  }
0xa: {  	[smem:$0x3FAB] =	sst s2  }
0xb: {  	[smem:$0x3FAC] =	sst s3  }
0xc: {  	[smem:$0x3FAD] =	sst s4  }
0xd: {  	[smem:$0x3FAE] =	sst s5  }
0xe: {  	[smem:$0x3FAF] =	sst s6  }
0xf: {  	[smem:$0x3FB0] =	sst s7  }
0x10: {  	[smem:$0x3FB1] =	sst s8  }
0x11: {  	[smem:$0x3FB2] =	sst s9;
	s0 =	simm.s32 @!p0 $0x0  }
0x12: {  	s1 =	sld [smem:$0x3F98];
	s0 =	simm.s32 @p0 $0x1  }
0x13: {  	[smem:$0x3FB3] =	sst s0;
	s0 =	simm.s32 @!p1 $0x0  }
0x14: {  	s2 =	sld [smem:$0x3F97];
	s0 =	simm.s32 @p1 $0x1  }
0x15: {  	[smem:$0x3FB4] =	sst s0;
	s0 =	simm.s32 @!p2 $0x0  }
0x16: {  	s3 =	sld [smem:$0x3FDB];
	s0 =	simm.s32 @p2 $0x1  }
0x17: {  	s4 =	simm.s32 $0x1BF5;
	[smem:$0x3FB6] =	sst s0  }
0x18: {  	s0 =	sld [smem:$0x3F99];
	_ =	swait.ge [sflag:s4], $0x0  }
0x19: {  	s7 =	sld [smem:$0x3F9A]  }
0x1a: {  	s8 =	sadd.s32 $0xFFFFE003, lr  }
0x1b: {  	s9 =	sadd.s32 $0xFFFFFEF7, lr;
	s5 =	simm.s32 $0xFFFFFFFF;
	p2 =	slt.u32 s8, $0xFFFFF086  }
0x1c: {  	p1 =	slt.u32 s9, $0xF7A;
	s5 =	simm.s32 @!p2 $0x0  }
0x1d: {  	s5 =	simm.s32 @p1 $0x1;
	p0 =	seq.s32 s7, s2  }
0x1e: {  	s7 =	smul.u32 @!p0 $0xF7A, s2;
	p2 =	seq.s32 @!p0 s5, $0x0  }
0x1f: {  	s9 =	smul.u32 $0xF7A, s1;
	s8 =	simm.s32 @!p0 $0x1BF5;
	p2 =	por !p2, p0  }
0x20: {  	[sflag:s8] =	ssyncset.s32 @!p0 $0xFFFFF086;
	s6 =	sadd.s32 @!p0 s3, s7;
	s7 =	simm.s32 @!p0 $0x108  }
0x21: {  	s3 =	sadd.s32 s3, s9;
	s6 =	sadd.s32 @!p0 $0x88, s6;
	s7 =	simm.s32 @p2 $0x1082  }
0x22: {  	[simem:s7], [sflag:s8] =	dma.local @!p0 [hbm:s6], $0xF7A  }
0x23: {  	s9 =	sor.u32 $0xD0000000, s2;
	s6 =	simm.s32 $0x108;
	_ =	swait.ge @!p0 [sflag:s8], $0x0  }
0x24: {  	s3 =	sadd.s32 $0x88, s3;
	s6 =	simm.s32 @!p1 $0x1082;
	[sflag:s4] =	ssyncset.s32 $0xFFFFF086  }
0x25: {  	[simem:s6], [sflag:s4] =	dma.local [hbm:s3], $0xF7A  }
0x26: {  	[smem:$0x3F9A] =	sst s1;
	(tag) =	ssettag s2;
	_ =	strace s9  }
0x27: {  	s1 =	sld [smem:$0x3FAA]  }
0x28: {  	s2 =	sld [smem:$0x3FAB]  }
0x29: {  	s4 =	sld [smem:$0x3FAD]  }
0x2a: {  	p0 =	seq.s32 s5, $0x0;
	s5 =	sld [smem:$0x3FAE]  }
0x2b: {  	s6 =	sld [smem:$0x3FAF]  }
0x2c: {  	s7 =	sld [smem:$0x3FB0]  }
0x2d: {  	s3 =	simm.s32 $0x108;
	s8 =	sld [smem:$0x3FB1]  }
0x2e: {  	s3 =	simm.s32 @!p0 $0x1082;
	s9 =	sld [smem:$0x3FB2]  }
0x2f: {  	lr =	sadd.s32 s0, s3;
	s0 =	sld [smem:$0x3FA9]  }
0x30: {  	s3 =	sld [smem:$0x3FAC]  }
0x31: {  	[smem:$0x3FB5] =	sst s10  }
0x32: {  	s10 =	sld [smem:$0x3FB3];
	_ =	sdelay $0x3  }
0x33: {  	p0 =	seq.s32 s10, $0x1;
	s10 =	sld [smem:$0x3FB5];
	_ =	sdelay $0x3  }
0x34: {  	[smem:$0x3FB5] =	sst s10  }
0x35: {  	s10 =	sld [smem:$0x3FB4];
	_ =	sdelay $0x3  }
0x36: {  	p1 =	seq.s32 s10, $0x1;
	s10 =	sld [smem:$0x3FB5];
	_ =	sdelay $0x3  }
0x37: {  	[smem:$0x3FB5] =	sst s10  }
0x38: {  	s10 =	sld [smem:$0x3FB6]  }
0x39: {  	_ = 	snop;
	(pc) =	sbr.ind lr, $3  }
0x3a: {  	_ = 	snop  }
0x3b: {  	_ = 	snop  }
0x3c: {  	p2 =	seq.s32 s10, $0x1;
	s10 =	sld [smem:$0x3FB5]  }
0x3d: {  	_ =	shalt  }
0x3e: {  	_ =	shalt  }
0x3f: {  	_ =	shalt  }
0x40: {  	_ =	shalt  }
0x41: {  	_ =	shalt  }
0x42: {  	_ =	shalt  }
0x43: {  	_ =	shalt  }
0x44: {  	_ =	shalt  }
0x45: {  	_ =	shalt  }
0x46: {  	_ =	shalt  }
0x47: {  	_ =	shalt  }
0x48: {  	_ =	shalt  }
0x49: {  	_ =	shalt  }
0x4a: {  	_ =	shalt  }
0x4b: {  	_ =	shalt  }
0x4c: {  	_ =	shalt  }
0x4d: {  	_ =	shalt  }
0x4e: {  	_ =	shalt  }
0x4f: {  	_ =	shalt  }
0x50: {  	_ =	shalt  }
0x51: {  	_ =	shalt  }
0x52: {  	_ =	shalt  }
0x53: {  	_ =	shalt  }
0x54: {  	_ =	shalt  }
0x55: {  	_ =	shalt  }
0x56: {  	_ =	shalt  }
0x57: {  	_ =	shalt  }
0x58: {  	_ =	shalt  }
0x59: {  	_ =	shalt  }
0x5a: {  	_ =	shalt  }
0x5b: {  	_ =	shalt  }
0x5c: {  	_ =	shalt  }
0x5d: {  	_ =	shalt  }
0x5e: {  	_ =	shalt  }
0x5f: {  	_ =	shalt  }
0x60: {  	_ =	shalt  }
0x61: {  	_ =	shalt  }
0x62: {  	_ =	shalt  }
0x63: {  	_ =	shalt  }
0x64: {  	_ =	shalt  }
0x65: {  	_ =	shalt  }
0x66: {  	_ =	shalt  }
0x67: {  	_ =	shalt  }
0x68: {  	_ =	shalt  }
0x69: {  	_ =	shalt  }
0x6a: {  	_ =	shalt  }
0x6b: {  	_ =	shalt  }
0x6c: {  	_ =	shalt  }
0x6d: {  	_ =	shalt  }
0x6e: {  	_ =	shalt  }
0x6f: {  	_ =	shalt  }
0x70: {  	_ =	shalt  }
0x71: {  	_ =	shalt  }
0x72: {  	_ =	shalt  }
0x73: {  	_ =	shalt  }
0x74: {  	_ =	shalt  }
0x75: {  	_ =	shalt  }
0x76: {  	_ =	shalt  }
0x77: {  	_ =	shalt  }
0x78: {  	_ =	shalt  }
0x79: {  	_ =	shalt  }
0x7a: {  	_ =	shalt  }
0x7b: {  	_ =	shalt  }
0x7c: {  	_ =	shalt  }
0x7d: {  	_ =	shalt  }
0x7e: {  	_ =	shalt  }
0x7f: {  	_ =	shalt  }
0x80: {  	_ =	shalt  }
0x81: {  	_ =	shalt  }
0x82: {  	_ =	shalt  }
0x83: {  	_ =	shalt  }
0x84: {  	_ =	shalt  }
0x85: {  	_ =	shalt  }
0x86: {  	_ =	shalt  }
0x87: {  	_ =	shalt  }
.Lfunc_end0:
.L_simem_size_0:
called_computation_lowered:
.L_overlay_start_0:
0x88: {  	s2 =	sld [smem:$0x3FD9]  }
0x89: {  	s3 =	sld [smem:$0x3FFE];
	_ =	sdelay $0x1  }
0x8a: {  	s1 =	srdreg.scid  }
0x8b: {  	s0 =	sand.u32 $0x1, s1  }
0x8c: {  	s18 =	sshll.u32 s0, $0xA;
	s2 =	sadd.s32 s3, s2  }
0x8d: {  	s2 =	sadd.s32 s2, s18  }
0x8e: {  	[smem:$0x3FC1] =	sst s2  }
0x8f: {  	_ = 	snop  }
0x90: {  	s2 =	sld [smem:$0x3FC9]  }
0x91: {  	s19 =	sld [smem:$0x3FC7]  }
0x92: {  	s4 =	sld [smem:$0x3FD0];
	(tm) =	ssettm $0x1  }
0x93: {  	s5 =	sld [smem:$0x3FFB];
	_ =	sdelay $0x3  }
0x94: {  	_ =	strace s5  }
0x95: {  	s5 =	sld [smem:$0x3FFC];
	_ =	sdelay $0x3  }
0x96: {  	_ =	strace s5  }
0x97: {  	s5 =	sld [smem:$0x3FFD];
	_ =	sdelay $0x3  }
0x98: {  	_ =	strace s5  }
0x99: {  	_ =	strace $0x8FFFFFFF  }
0x9a: {  	s20 =	sld [smem:$0x3FDB];
	_ =	sdelay $0x1  }
0x9b: {  	s6 =	simm.s32 $_scs_section_size  }
0x9c: {  	s7 =	simm.s32 $_size__tile_overlayer_lowered;
	s8 =	simm.s32 $_tile_overlayer_lowered  }
0x9d: {  	s23 =	simm.s32 $0x1BFF;
	s22 =	sshll.u32 s8, $0x1;
	s5 =	sadd.s32 s6, s20  }
0x9e: {  	s9 =	simm.s32 $0x0;
	s21 =	sshll.u32 s7, $0x1;
	s7 =	sadd.s32 s22, s5  }
0x9f: {  	[timem:s9], [sflag:s23] =	dma.local [hbm:s7], s21  }
0xa0: {  	_ =	swait.ge [sflag:s23], s21  }
0xa1: {  	s6 =	ssub.s32 $0x0, s21;
	[sflag:s23] =	ssyncset.done $0x0  }
0xa2: {  	[sflag:s23] =	ssyncadd.s32 s6;
	_ =	sdelay $0x1  }
0xa3: {  	s24 =	simm.s32 $0x1B8B  }
0xa4: {  	_ =	swait.ge [sflag:s24], $0x1  }
0xa5: {  	[sflag:s24] =	ssyncset.done $0x0  }
0xa6: {  	s25 =	simm.s32 $0x1B8E;
	[sflag:s24] =	ssyncadd.s32 $0xFFFFFFFF  }
0xa7: {  	s26 =	simm.s32 $execute0_lowered;
	[smem:$0x3FD2] =	sst s25  }
0xa8: {  	s6 =	sshll.u32 s26, $0x1;
	_ =	strace $0x80000046;
	[dreg:$0x1] =	wrdreg $0xFFFFFFFF  }
0xa9: {  	s28 =	simm.s32 $_size_execute0_lowered;
	s5 =	sadd.s32 s5, s6;
	[dreg:$0x0] =	wrdreg $0x0  }
0xaa: {  	s6 =	sshll.u32 s28, $0x1;
	[dreg:$0x2] =	wrdreg s5  }
0xab: {  	[dreg:$0x3] =	wrdreg s6  }
0xac: {  	[dreg:$0x4] =	wrdreg $0xC0  }
0xad: {  	_ =	task [dreg:s9], $0x5FFFF  }
0xae: {  	[dreg:$0x1] =	wrdreg $0xFFFFFFFF  }
0xaf: {  	[dreg:$0x0] =	wrdreg $0x60  }
0xb0: {  	[dreg:$0x2] =	wrdreg s19  }
0xb1: {  	[dreg:$0x3] =	wrdreg s2  }
0xb2: {  	[dreg:$0x4] =	wrdreg s4  }
0xb3: {  	[dreg:$0x5] =	wrdreg $0x9  }
0xb4: {  	_ =	task.clear_ibuf [dreg:s9], $0x6FFFF;
	_ =	strace $0x90000046  }
0xb5: {  	s29 =	simm.s32 $0x9;
	_ =	strace $0x80000048  }
0xb6: {  	_ =	swait.ge [sflag:s29], $0x1  }
0xb7: {  	[sflag:s29] =	ssyncadd.s32 $0xFFFFFFFF  }
0xb8: {  	_ =	strace $0x90000048  }
0xb9: {  	_ =	sfence  }
0xba: {  	s30 =	sld [smem:$0x0];
	_ =	sdelay $0x2  }
0xbb: {  	s31 =	sshll.u32 s1, $0xD;
	s1 =	sshrl.u32 s1, $0x2  }
0xbc: {  	s3 =	sand.u32 $0x4000, s31;
	s1 =	sadd.s32 s1, s30  }
0xbd: {  	s0 =	sor.u32 s3, s0;
	s1 =	sshll.u32 s1, $0x11  }
0xbe: {  	s0 =	sor.u32 s1, s0  }
0xbf: {  	s0 =	sadd.s32 $0x8F2B, s0  }
0xc0: {  	[sflag:s0] =	ssyncadd.remote.s32 $0x1  }
0xc1: {  	_ =	sfence.sel $0xFFFF  }
0xc2: {  	[dreg:$0x0] =	wrdreg $0xFFFFFFFF;
	(pc) =	sbr.abs _section_cstart, $3  }
0xc3: {  	[dreg:$0x1] =	wrdreg $0xFFFFFFFF  }
0xc4: {  	_ =	task.clear_ibuf [dreg:s9], $0x2FFFF;
	_ =	strace $0x9FFFFFFF  }
0xc5: {  	(tm) =	ssettm $0x7FFFFFFF  }
tec
execute0_lowered:
.L_overlay_start_1:
0x0: {  	(tag) =	ssettag $0x1  }
0x1: {  	s2 =	rddreg [dreg:$0x0]  }
0x2: {  	s4 =	rddreg [dreg:$0x1];
	s1 =	srdreg.scid  }
0x3: {  	s0 =	stileid.u32;
	s11 =	rddreg [dreg:$0x2];
	s7 =	simm.s32 $0x3  }
0x4: {  	s12 =	sand.u32 $0x1, s1;
	s3 =	sshll.u32 s0, $0x1;
	s1 =	rddreg [dreg:$0x3]  }
0x5: {  	s5 =	sshll.u32 s0, $0x2;
	s13 =	sor.u32 s12, s3;
	s3 =	simm.s32 $0x0  }
0x6: {  	s5 =	sand.u32 $0x30, s5;
	s6 =	sshll.u32 s13, $0x7;
	[smem:$0x7FF] =	sst s3  }
0x7: {  	s4 =	sadd.s32 s4, s5;
	s5 =	simm.s32 $0x80;
	s6 =	sand.u32 $0x380, s6  }
0x8: {  	_ =	strace $0x80000047;
	s4 =	sadd.s32 s6, s4;
	s6 =	simm.s32 $0x200  }
0x9: {  	[tilespmem:s3], [sflag:$0x3] =	stream.strided.gather [hbm4b:s4+s5], $0x100, s6, s5, $0x38;
	[tilespmem:$0x8100] =	vst v63  }
0xa: {  	_ =	swait.ge [sflag:s7], $0x100  }
0xb: {  	[sflag:s7] =	ssyncset.done $0x0  }
0xc: {  	s8 =	simm.s32 $0x100;
	[sflag:s7] =	ssyncadd.s32 $0xFFFFFF00  }
0xd: {  	[tilespmem:s8], [sflag:$0x1] =	stream.indirect.gather [hbm4b:s2+s5], $0x80, s3, s5, $0xb8;
	[tilespmem:$0x8100] =	vst v63  }
0xe: {  	s9 =	simm.s32 $0x4100;
	s10 =	simm.s32 $0x1  }
0xf: {  	[tilespmem:s9], [sflag:$0x1] =	stream.indirect.gather [hbm4b:s2+s5], $0x80, s5, s5, $0xb8;
	[tilespmem:$0x8100] =	vst v63  }
0x10: {  	_ =	swait.ge [sflag:s10], $0x4000  }
0x11: {  	s14 =	ssub.s32 $0x2, s12;
	s13 =	sshll.u32 s13, $0xC;
	[sflag:s10] =	ssyncset.done $0x0  }
0x12: {  	s15 =	sshrl.u32 s14, $0x1;
	s11 =	sadd.s32 s11, s13;
	[sflag:s10] =	ssyncadd.s32 $0xFFFFC000  }
0x13: {  	[hbm4b:s11+s3] =	stream.linear.scatter [tilespmem:s8], [sflag:$0x2], $0x4000, $0x38;
	[tilespmem:$0x8100] =	vst v63  }
0x14: {  	s14 =	ssub.s32 s14, s15;
	_ =	swait.ge [sflag:s10], $0x4000  }
0x15: {  	s12 =	simm.s32 $0x2;
	s14 =	smax.u32 s14, $0x1;
	[sflag:s10] =	ssyncset.done $0x0  }
0x16: {  	s13 =	sadd.s32 $0x800, s11;
	p0 =	sne.s32 s14, $0x1;
	[sflag:s10] =	ssyncadd.s32 $0xFFFFC000  }
0x17: {  	[hbm4b:s13+s3] =	stream.linear.scatter [tilespmem:s9], [sflag:$0x2], $0x4000, $0x38;
	[tilespmem:$0x8100] =	vst v63  }
.Ltmp0:
0x18: {  	_ =	swait.ge [sflag:s12], $0x4000;
	(pc) =	sbr.rel @!p0 .LBB2_2-.Ltmp0, $4  }
0x19: {  	[sflag:s12] =	ssyncset.done $0x0  }
0x1a: {  	[sflag:s12] =	ssyncadd.s32 $0xFFFFC000  }
0x1b: {  	_ =	swait.ge [sflag:s12], $0x4000  }
0x1c: {  	s14 =	sadd.s32 $0xFFFFFFFF, s14;
	[sflag:s12] =	ssyncset.done $0x0  }
.LBB2_1:
0x1d: {  	p0 =	sne.s32 s14, $0x1;
	s14 =	sadd.s32 $0xFFFFFFFF, s14;
	[sflag:s12] =	ssyncadd.s32 $0xFFFFC000  }
0x1e: {  	[tilespmem:s3], [sflag:$0x3] =	stream.strided.gather [hbm4b:s4+s5], $0x100, s6, s5, $0x38;
	[tilespmem:$0x8100] =	vst v63  }
0x1f: {  	_ =	swait.ge [sflag:s7], $0x100  }
0x20: {  	[sflag:s7] =	ssyncset.done $0x0  }
0x21: {  	[sflag:s7] =	ssyncadd.s32 $0xFFFFFF00  }
0x22: {  	[tilespmem:s8], [sflag:$0x1] =	stream.indirect.gather [hbm4b:s2+s5], $0x80, s3, s5, $0xb8;
	[tilespmem:$0x8100] =	vst v63  }
0x23: {  	_ = 	snop  }
0x24: {  	[tilespmem:s9], [sflag:$0x1] =	stream.indirect.gather [hbm4b:s2+s5], $0x80, s5, s5, $0xb8;
	[tilespmem:$0x8100] =	vst v63  }
0x25: {  	_ =	swait.ge [sflag:s10], $0x4000  }
0x26: {  	[sflag:s10] =	ssyncset.done $0x0  }
0x27: {  	[sflag:s10] =	ssyncadd.s32 $0xFFFFC000  }
0x28: {  	[hbm4b:s11+s3] =	stream.linear.scatter [tilespmem:s8], [sflag:$0x2], $0x4000, $0x38;
	[tilespmem:$0x8100] =	vst v63  }
0x29: {  	_ =	swait.ge [sflag:s10], $0x4000  }
0x2a: {  	[sflag:s10] =	ssyncset.done $0x0  }
0x2b: {  	[sflag:s10] =	ssyncadd.s32 $0xFFFFC000  }
0x2c: {  	[hbm4b:s13+s3] =	stream.linear.scatter [tilespmem:s9], [sflag:$0x2], $0x4000, $0x38;
	[tilespmem:$0x8100] =	vst v63  }
.Ltmp1:
0x2d: {  	_ =	swait.ge [sflag:s12], $0x4000;
	(pc) =	sbr.rel @p0 .LBB2_1-.Ltmp1, $4  }
0x2e: {  	[sflag:s12] =	ssyncset.done $0x0  }
0x2f: {  	[sflag:s12] =	ssyncadd.s32 $0xFFFFC000  }
0x30: {  	_ =	swait.ge [sflag:s12], $0x4000  }
0x31: {  	[sflag:s12] =	ssyncset.done $0x0  }
.LBB2_2:
0x32: {  	[sflag:s12] =	ssyncadd.s32 $0xFFFFC000  }
0x33: {  	_ =	sfence.sel $0x180000  }
0x34: {  	[bflag:$0x0] =	sbarrier.arrive $0xFFFF  }
0x35: {  	p0 =	sne.s32 s0, $0x0;
	_ =	strace $0x90000047  }
0x36: {  	s0 =	sadd.s32 @!p0 $0x100000, s1;
	[bflag:$0x2] =	sbarrier.arrive $0xFFFF  }
0x37: {  	[sflag:s0] =	ssyncadd.tile.s32 @!p0 $0x1;
	_ =	shalt  }
.Lfunc_end2:
_tile_overlayer_lowered:
.L_overlay_start_2:
0x38: {  	(tag) =	ssettag $0x2  }
0x39: {  	s0 =	rddreg [dreg:$0x0];
	s2 =	stileid.u32  }
0x3a: {  	s1 =	rddreg [dreg:$0x1];
	p0 =	sne.s32 s2, $0x0  }
0x3b: {  	s3 =	rddreg [dreg:$0x2];
	[bflag:$0x3] =	sbarrier.arrive $0xFFFF;
	s2 =	simm.s32 @!p0 $0x1C03  }
0x3c: {  	[timem:s3], [sflag:s2] =	dma.local @!p0 [hbm:s0], s1  }
0x3d: {  	s0 =	simm.s32 @!p0 $0x3  }
0x3e: {  	_ =	swait.ge @!p0 [sflag:s0], s1  }
0x3f: {  	s1 =	ssub.s32 @!p0 $0x0, s1;
	[sflag:s0] =	ssyncset.done @!p0 $0x0  }
0x40: {  	[sflag:s0] =	ssyncadd.s32 @!p0 s1  }
0x41: {  	[bflag:$0x3] =	sbarrier.arrive $0xFFFF  }
0x42: {  	_ =	shalt  }

</sc_bundles>
